<compile_context>
chip_gen: v7x
topology: tpu7x:2x2x1
jax: 0.10.2.dev20260603
libtpu: 0.0.44.dev20260713+nightly
codegen_flags: <defaults>
</compile_context>

<pallas_src>
import dataclasses

import jax
import jax.numpy as jnp
from jax import lax
from jax.experimental import pallas as pl
from jax.experimental.pallas import tpu as pltpu
from jax.experimental.pallas import tpu_sc as plsc

N = 10000
NPAD = 10240
F = 128
H = 256
O = 64
E = 160000
EPAD = 163840
NC, NS, L = 2, 16, 16
CHUNK = 128
ET = EPAD // (NC * NS)
NCH = ET // CHUNK
RPT = NPAD // NS

_mesh = plsc.VectorSubcoreMesh(core_axis_name="c", subcore_axis_name="s")
_SC_CP = pltpu.CompilerParams()
if "needs_layout_passes" in pltpu.CompilerParams.__dataclass_fields__:
    _SC_CP = dataclasses.replace(_SC_CP, needs_layout_passes=False)
f32 = jnp.float32
i32 = jnp.int32


def _zero_rows_f(tb_v):
    k = tb_v.shape[1] // L
    zf = jnp.zeros((L,), f32)

    @pl.loop(0, 128)
    def _(r):
        for fblk in range(k):
            tb_v[r, pl.ds(fblk * L, L)] = zf


def _k0_body(dstrs_hbm, dstrr_hbm, w_hbm,
             deg_out, cnt_out,
             dst_v, dstr_v, w_v, ones_v, st1_v,
             acc_deg, acc_cnt):
    c = lax.axis_index("c")
    s = lax.axis_index("s")
    wid = c * NS + s
    zf = jnp.zeros((L,), f32)
    of = jnp.ones((L,), f32)
    base = s * RPT

    @pl.loop(0, RPT, step=L)
    def _(r):
        st1_v[pl.ds(r, L)] = zf

    @pl.loop(0, CHUNK, step=L)
    def _(r):
        ones_v[pl.ds(r, L)] = of

    pltpu.sync_copy(st1_v, acc_deg.at[pl.ds(base, RPT)])
    pltpu.sync_copy(st1_v, acc_cnt.at[pl.ds(base, RPT)])

    pltpu.sync_copy(dstrs_hbm.at[wid], dst_v)
    pltpu.sync_copy(dstrr_hbm.at[wid], dstr_v)
    pltpu.sync_copy(w_hbm.at[pl.ds(wid * ET, ET)], w_v)

    plsc.subcore_barrier()

    @pl.loop(0, NCH)
    def _(j):
        pltpu.sync_copy(w_v.at[pl.ds(j * CHUNK, CHUNK)],
                        acc_deg.at[dstr_v.at[j]], add=True)
        pltpu.sync_copy(ones_v, acc_cnt.at[dst_v.at[j]], add=True)

    plsc.subcore_barrier()

    pltpu.sync_copy(acc_deg.at[pl.ds(base, RPT)], deg_out.at[c, pl.ds(base, RPT)])
    pltpu.sync_copy(acc_cnt.at[pl.ds(base, RPT)], cnt_out.at[c, pl.ds(base, RPT)])


@jax.jit
def _k0(dst_rs2d, dst_rr2d, w_pad):
    kern = pl.kernel(
        _k0_body,
        mesh=_mesh,
        compiler_params=_SC_CP,
        out_type=(
            jax.ShapeDtypeStruct((NC, NPAD), f32),
            jax.ShapeDtypeStruct((NC, NPAD), f32),
        ),
        scratch_types=[
            pltpu.VMEM((NCH, CHUNK), i32),
            pltpu.VMEM((NCH, CHUNK), i32),
            pltpu.VMEM((ET,), f32),
            pltpu.VMEM((CHUNK,), f32),
            pltpu.VMEM((RPT,), f32),
            pltpu.VMEM_SHARED((NPAD,), f32),
            pltpu.VMEM_SHARED((NPAD,), f32),
        ],
    )
    return kern(dst_rs2d, dst_rr2d, w_pad)


def _k1_body(x_hbm, srcrs_hbm, dstrs_hbm, tok_hbm,
             s0_out,
             src_v, dst_v, r0, r1,
             acc_s0, ss):
    c = lax.axis_index("c")
    s = lax.axis_index("s")
    wid = c * NS + s
    base = s * RPT

    _zero_rows_f(r0)
    for r in range(RPT // 128):
        pltpu.sync_copy(r0, acc_s0.at[pl.ds(base + r * 128, 128)])

    pltpu.sync_copy(srcrs_hbm.at[pl.ds(wid * ET, ET)], src_v)
    pltpu.sync_copy(dstrs_hbm.at[wid], dst_v)

    plsc.subcore_barrier()

    rows = (r0, r1)

    @pl.loop(0, NCH // 2)
    def _(grp):
        j0 = grp * 2
        cps = [pltpu.async_copy(
            x_hbm.at[src_v.at[pl.ds((j0 + b) * CHUNK, CHUNK)]], rows[b], ss)
            for b in range(2)]
        for b in range(2):
            cps[b].wait()
        scps = [pltpu.async_copy(rows[b], acc_s0.at[dst_v.at[j0 + b]],
                                 ss, add=True) for b in range(2)]
        for b in range(2):
            scps[b].wait()

    plsc.subcore_barrier()

    pltpu.sync_copy(acc_s0.at[pl.ds(base, RPT)], s0_out.at[c, pl.ds(base, RPT)])


@jax.jit
def _k1(x_pad, src_rs, dst_rs2d, tok):
    kern = pl.kernel(
        _k1_body,
        mesh=_mesh,
        compiler_params=_SC_CP,
        out_type=jax.ShapeDtypeStruct((NC, NPAD, F), f32),
        scratch_types=[
            pltpu.VMEM((ET,), i32),
            pltpu.VMEM((NCH, CHUNK), i32),
            pltpu.VMEM((CHUNK, F), f32),
            pltpu.VMEM((CHUNK, F), f32),
            pltpu.VMEM_SHARED((NPAD, F), f32),
            pltpu.SemaphoreType.DMA,
        ],
    )
    return kern(x_pad, src_rs, dst_rs2d, tok)


def _k1b_body(src_hbm, w_hbm, dis_hbm, tok_hbm,
              s_out,
              src_v, w_v, dis_v, st_v):
    c = lax.axis_index("c")
    s = lax.axis_index("s")
    wid = c * NS + s

    pltpu.sync_copy(src_hbm.at[pl.ds(wid * ET, ET)], src_v)
    pltpu.sync_copy(w_hbm.at[pl.ds(wid * ET, ET)], w_v)
    pltpu.sync_copy(dis_hbm, dis_v)

    @pl.loop(0, ET, step=L)
    def _(i):
        idx16 = src_v[pl.ds(i, L)]
        d16 = plsc.load_gather(dis_v, [idx16])
        st_v[pl.ds(i, L)] = d16 * w_v[pl.ds(i, L)]

    pltpu.sync_copy(st_v, s_out.at[pl.ds(wid * ET, ET)])


@jax.jit
def _k1b(src_rr, w_pad, dis_flat, tok):
    kern = pl.kernel(
        _k1b_body,
        mesh=_mesh,
        compiler_params=_SC_CP,
        out_type=jax.ShapeDtypeStruct((EPAD,), f32),
        scratch_types=[
            pltpu.VMEM((ET,), i32),
            pltpu.VMEM((ET,), f32),
            pltpu.VMEM((NPAD,), f32),
            pltpu.VMEM((ET,), f32),
        ],
    )
    return kern(src_rr, w_pad, dis_flat, tok)


EPH = EPAD // 2
ETH = EPH // (NC * NS)
NCHH = ETH // CHUNK


def _k2_body(x_hbm, src_hbm, dst_hbm, s_hbm,
             r0_out,
             src_v, dst_v, sch_v, r0, r1,
             acc, ss):
    c = lax.axis_index("c")
    s = lax.axis_index("s")
    wid = c * NS + s
    zi = jnp.zeros((L,), i32)
    base = s * RPT

    _zero_rows_f(r0)
    for r in range(RPT // 128):
        pltpu.sync_copy(r0, acc.at[pl.ds(base + r * 128, 128)])

    pltpu.sync_copy(src_hbm.at[pl.ds(wid * ETH, ETH)], src_v)
    pltpu.sync_copy(dst_hbm.at[wid], dst_v)
    pltpu.sync_copy(s_hbm.at[pl.ds(wid * ETH, ETH)], sch_v)

    plsc.subcore_barrier()

    rows = (r0, r1)

    @pl.loop(0, NCHH // 2)
    def _(grp):
        j0 = grp * 2
        cps = [pltpu.async_copy(
            x_hbm.at[src_v.at[pl.ds((j0 + b) * CHUNK, CHUNK)]], rows[b], ss)
            for b in range(2)]
        for b in range(2):
            cps[b].wait()
        for b in range(2):
            rv = rows[b]

            @pl.loop(0, CHUNK)
            def _(e):
                sp = plsc.load_gather(sch_v, [zi + ((j0 + b) * CHUNK + e)])
                for fblk in range(F // L):
                    rv[e, pl.ds(fblk * L, L)] = rv[e, pl.ds(fblk * L, L)] * sp

        scps = [pltpu.async_copy(rows[b], acc.at[dst_v.at[j0 + b]],
                                 ss, add=True) for b in range(2)]
        for b in range(2):
            scps[b].wait()

    plsc.subcore_barrier()

    pltpu.sync_copy(acc.at[pl.ds(base, RPT)], r0_out.at[c, pl.ds(base, RPT)])


@jax.jit
def _k2(x_pad, src_h, dst2d_h, s_h):
    kern = pl.kernel(
        _k2_body,
        mesh=_mesh,
        compiler_params=_SC_CP,
        out_type=jax.ShapeDtypeStruct((NC, NPAD, F), f32),
        scratch_types=[
            pltpu.VMEM((ETH,), i32),
            pltpu.VMEM((NCHH, CHUNK), i32),
            pltpu.VMEM((ETH,), f32),
            pltpu.VMEM((CHUNK, F), f32),
            pltpu.VMEM((CHUNK, F), f32),
            pltpu.VMEM_SHARED((NPAD, F), f32),
            pltpu.SemaphoreType.DMA,
        ],
    )
    return kern(x_pad, src_h, dst2d_h, s_h)


_PREC = jax.lax.Precision.HIGHEST


def _dot(a, b):
    return jax.lax.dot(a, b, precision=_PREC, preferred_element_type=f32)


def _t1_body(deg_ref, cnt_ref, wg_ref, wl1_ref, lw_ref, bg_ref, wr1_ref,
             bl1_ref, lb_ref,
             dis_ref, invc_ref, wgv_ref, bgv_ref, wrv_ref, blv_ref):
    deg = deg_ref[0] + deg_ref[1] + 1.0
    dis_ref[...] = jax.lax.rsqrt(deg)
    cnt = cnt_ref[0] + cnt_ref[1]
    invc_ref[...] = 1.0 / jnp.maximum(cnt, 1.0)
    v = _dot(wl1_ref[...], lw_ref[...])
    wgv_ref[...] = _dot(wg_ref[...], v)
    bgv_ref[...] = _dot(bg_ref[...], v)
    wrv_ref[...] = _dot(wr1_ref[...], lw_ref[...])
    blv_ref[...] = _dot(bl1_ref[...], lw_ref[...]) + lb_ref[...]


@jax.jit
def _t1(deg2, cnt2, Wg0, Wl1, lin_W, bg0, Wr1, bl1, lin_b):
    return pl.pallas_call(
        _t1_body,
        out_shape=(jax.ShapeDtypeStruct((NPAD,), f32),
                   jax.ShapeDtypeStruct((NPAD,), f32),
                   jax.ShapeDtypeStruct((F, O), f32),
                   jax.ShapeDtypeStruct((1, O), f32),
                   jax.ShapeDtypeStruct((H, O), f32),
                   jax.ShapeDtypeStruct((1, O), f32)),
    )(deg2, cnt2, Wg0, Wl1, lin_W, bg0.reshape(1, H), Wr1,
      bl1.reshape(1, H), lin_b.reshape(1, O))


RB = 1024
GRID = NPAD // RB


def _t2_body(s0_ref, invc_ref, xs_ref, wl_ref, bl_ref, wr_ref, o_ref):
    mean = s0_ref[...] * invc_ref[...]
    o_ref[...] = _dot(mean, wl_ref[...]) + bl_ref[...] + _dot(xs_ref[...], wr_ref[...])


@jax.jit
def _t2(s0_p, invc, xs_pad, Wl0, bl0, Wr0):
    return pl.pallas_call(
        _t2_body,
        grid=(GRID,),
        in_specs=[
            pl.BlockSpec((RB, F), lambda i: (i, 0)),
            pl.BlockSpec((RB, 1), lambda i: (i, 0)),
            pl.BlockSpec((RB, F), lambda i: (i, 0)),
            pl.BlockSpec((F, H), lambda i: (0, 0)),
            pl.BlockSpec((1, H), lambda i: (0, 0)),
            pl.BlockSpec((F, H), lambda i: (0, 0)),
        ],
        out_specs=pl.BlockSpec((RB, H), lambda i: (i, 0)),
        out_shape=jax.ShapeDtypeStruct((NPAD, H), f32),
    )(s0_p, invc, xs_pad, Wl0, bl0.reshape(1, H), Wr0)


def _t3_body(ra_ref, rb_ref, dis_ref, xr_ref, wgv_ref, bgv_ref, o_ref):
    dis = dis_ref[...]
    agg = ra_ref[0] + ra_ref[1] + rb_ref[0] + rb_ref[1]
    t = dis * agg + (dis * dis) * xr_ref[...]
    y = _dot(t, wgv_ref[...]) + bgv_ref[...]
    o_ref[...] = jnp.concatenate([y, jnp.zeros((RB, F - O), f32)], axis=1)


@jax.jit
def _t3(r0a, r0b, dis, xr_pad, WgV, bgV):
    return pl.pallas_call(
        _t3_body,
        grid=(GRID,),
        in_specs=[
            pl.BlockSpec((NC, RB, F), lambda i: (0, i, 0)),
            pl.BlockSpec((NC, RB, F), lambda i: (0, i, 0)),
            pl.BlockSpec((RB, 1), lambda i: (i, 0)),
            pl.BlockSpec((RB, F), lambda i: (i, 0)),
            pl.BlockSpec((F, O), lambda i: (0, 0)),
            pl.BlockSpec((1, O), lambda i: (0, 0)),
        ],
        out_specs=pl.BlockSpec((RB, F), lambda i: (i, 0)),
        out_shape=jax.ShapeDtypeStruct((NPAD, F), f32),
    )(r0a, r0b, dis, xr_pad, WgV, bgV)


def _t4_body(s1_ref, invc_ref, hs1_ref, wrv_ref, blv_ref, o_ref):
    aggy = s1_ref[:, :O]
    o_ref[...] = aggy * invc_ref[...] + _dot(hs1_ref[...], wrv_ref[...]) + blv_ref[...]


@jax.jit
def _t4(s1_p, invc, h_s1, WrV, blV):
    return pl.pallas_call(
        _t4_body,
        grid=(GRID,),
        in_specs=[
            pl.BlockSpec((RB, F), lambda i: (i, 0)),
            pl.BlockSpec((RB, 1), lambda i: (i, 0)),
            pl.BlockSpec((RB, H), lambda i: (i, 0)),
            pl.BlockSpec((H, O), lambda i: (0, 0)),
            pl.BlockSpec((1, O), lambda i: (0, 0)),
        ],
        out_specs=pl.BlockSpec((RB, O), lambda i: (i, 0)),
        out_shape=jax.ShapeDtypeStruct((NPAD, O), f32),
    )(s1_p, invc, h_s1, WrV, blV)


def kernel(x_region, x_subject, edge_index_rs, edge_index_rr, edge_weight_rr,
           sage_Wl_0, sage_bl_0, sage_Wr_0, gcn_W_0, gcn_b_0,
           sage_Wl_1, sage_bl_1, sage_Wr_1, gcn_W_1, gcn_b_1,
           lin_W, lin_b):
    pad_e = EPAD - E
    xr_pad = jnp.zeros((NPAD, F), f32).at[:N].set(x_region)
    xs_pad = jnp.zeros((NPAD, F), f32).at[:N].set(x_subject)

    pad_dst = N + (jnp.arange(pad_e, dtype=i32) % (NPAD - N))
    src_rs = jnp.concatenate([edge_index_rs[0], jnp.zeros((pad_e,), i32)])
    dst_rs = jnp.concatenate([edge_index_rs[1], pad_dst])
    src_rr = jnp.concatenate([edge_index_rr[0], jnp.zeros((pad_e,), i32)])
    dst_rr = jnp.concatenate([edge_index_rr[1], pad_dst])
    w_pad = jnp.concatenate([edge_weight_rr, jnp.zeros((pad_e,), f32)])

    def _ilv(a):
        return a.reshape(NCH, NC * NS, CHUNK).swapaxes(0, 1).reshape(EPAD)

    src_rs, dst_rs = _ilv(src_rs), _ilv(dst_rs)
    src_rr, dst_rr, w_pad = _ilv(src_rr), _ilv(dst_rr), _ilv(w_pad)

    dst_rs2d = dst_rs.reshape(NC * NS, NCH, CHUNK)
    dst_rr2d = dst_rr.reshape(NC * NS, NCH, CHUNK)

    deg2, cnt2 = _k0(dst_rs2d, dst_rr2d, w_pad)
    s0_p = _k1(xr_pad, src_rs, dst_rs2d, deg2)
    dis_flat, invc_flat, WgV, bgV, WrV, blV = _t1(
        deg2, cnt2, gcn_W_0, sage_Wl_1, lin_W, gcn_b_0, sage_Wr_1,
        sage_bl_1, lin_b)
    dis = dis_flat.reshape(NPAD, 1)
    invc = invc_flat.reshape(NPAD, 1)

    s_edge = _k1b(src_rr, w_pad, dis_flat, s0_p[:, :1, :1])
    r0_a = _k2(xr_pad, src_rr[:EPH], dst_rr2d[:NC * NS // 2].reshape(NC * NS, NCHH, CHUNK),
               s_edge[:EPH])
    r0_b = _k2(xr_pad, src_rr[EPH:], dst_rr2d[NC * NS // 2:].reshape(NC * NS, NCHH, CHUNK),
               s_edge[EPH:])
    s0 = s0_p[0] + s0_p[1]
    h_s1 = _t2(s0, invc, xs_pad, sage_Wl_0, sage_bl_0, sage_Wr_0)
    y_pad = _t3(r0_a, r0_b, dis, xr_pad, WgV, bgV)
    s1_p = _k1(y_pad, src_rs, dst_rs2d, r0_b[:, :1, :1])
    s1 = s1_p[0] + s1_p[1]
    out = _t4(s1, invc, h_s1, WrV, blV)
    return out[:N]

# --- scband reference (transcript-rebuilt; emitter-appended) ---
"""Pipeline reference for scband-hetero-gnn-47004122087676 (READ-ONLY COPY).

The authoritative reference and input builder live on the scoring server;
editing this copy changes nothing except your own understanding.
"""

import jax, jax.numpy as jnp
import numpy as np


def _glorot(key, shape):
    lim = float(np.sqrt(6.0 / (shape[0] + shape[1])))
    return jax.random.uniform(key, shape, jnp.float32, -lim, lim)


def _sage(x_src, x_dst, ei, Wl, bl, Wr):
    # PyG SAGEConv((-1,-1), H): mean-aggregate source neighbors, lin_l(agg) + lin_r(root)
    src, dst = ei[0], ei[1]
    n_dst = x_dst.shape[0]
    msg = x_src[src]
    agg = jax.ops.segment_sum(msg, dst, num_segments=n_dst)
    cnt = jax.ops.segment_sum(jnp.ones((ei.shape[1],), x_src.dtype), dst, num_segments=n_dst)
    mean = agg / jnp.clip(cnt, 1.0, None)[:, None]
    return mean @ Wl + bl + x_dst @ Wr


def _gcn(x, ei, ew, W, b):
    # PyG GCNConv with edge weights and added self-loops, symmetric normalization
    n = x.shape[0]
    loop = jnp.arange(n, dtype=ei.dtype)
    src = jnp.concatenate([ei[0], loop])
    dst = jnp.concatenate([ei[1], loop])
    w = jnp.concatenate([ew, jnp.ones((n,), ew.dtype)])
    deg = jax.ops.segment_sum(w, dst, num_segments=n)
    dis = jnp.where(deg > 0, 1.0 / jnp.sqrt(deg), 0.0)
    norm = dis[src] * w * dis[dst]
    h = x @ W
    out = jax.ops.segment_sum(h[src] * norm[:, None], dst, num_segments=n)
    return out + b


def setup_inputs(seed: int = 0):
    key = jax.random.key(seed)
    ks = jax.random.split(key, 24)
    Nr, Ns, F, H, O = 10000, 10000, 128, 256, 64
    Ers, Err = 160000, 160000
    inp = {}
    inp["x_region"] = jax.random.normal(ks[0], (Nr, F), jnp.float32)
    inp["x_subject"] = jax.random.normal(ks[1], (Ns, F), jnp.float32)
    inp["edge_index_rs"] = jax.random.randint(ks[2], (2, Ers), 0, Nr, jnp.int32)
    inp["edge_index_rr"] = jax.random.randint(ks[3], (2, Err), 0, Nr, jnp.int32)
    inp["edge_weight_rr"] = jax.random.uniform(ks[4], (Err,), jnp.float32)
    dims = [(F, H), (H, H)]
    i = 5
    for l, (din, dout) in enumerate(dims):
        inp[f"sage_Wl_{l}"] = _glorot(ks[i], (din, dout)); i += 1
        inp[f"sage_bl_{l}"] = jnp.zeros((dout,), jnp.float32)
        inp[f"sage_Wr_{l}"] = _glorot(ks[i], (din, dout)); i += 1
        inp[f"gcn_W_{l}"] = _glorot(ks[i], (din, dout)); i += 1
        inp[f"gcn_b_{l}"] = jnp.zeros((dout,), jnp.float32)
    inp["lin_W"] = _glorot(ks[i], (H, O))
    inp["lin_b"] = jnp.zeros((O,), jnp.float32)
    return inp


def reference(x_region, x_subject, edge_index_rs, edge_index_rr, edge_weight_rr,
              sage_Wl_0, sage_bl_0, sage_Wr_0, gcn_W_0, gcn_b_0,
              sage_Wl_1, sage_bl_1, sage_Wr_1, gcn_W_1, gcn_b_1,
              lin_W, lin_b):
    layers = [
        (sage_Wl_0, sage_bl_0, sage_Wr_0, gcn_W_0, gcn_b_0),
        (sage_Wl_1, sage_bl_1, sage_Wr_1, gcn_W_1, gcn_b_1),
    ]
    h_r, h_s = x_region, x_subject
    for (Wl, bl, Wr, Wg, bg) in layers:
        # HeteroConv with aggr='sum': each dst type receives from exactly one edge type here
        s_new = _sage(h_r, h_s, edge_index_rs, Wl, bl, Wr)   # ('region','has_region','subject') SAGEConv
        r_new = _gcn(h_r, edge_index_rr, edge_weight_rr, Wg, bg)  # ('region','is_functionally_connected','region') GCNConv
        h_s, h_r = s_new, r_new
    return h_s @ lin_W + lin_b

if __name__ == "__main__":
    import jax
    _d = setup_inputs()
    print(jax.jit(kernel)(*tuple(_d.values())))

</pallas_src>

<mosaic_0001>
#map = affine_map<(d0, d1) -> (0, 0, 0)>
#map1 = affine_map<(d0, d1) -> (0)>
#map2 = affine_map<(d0, d1) -> (0, 0)>
module attributes {stable_mosaic.version = 14 : i64} {
  func.func @_k0_body(%arg0: i32, %arg1: i32, %arg2: memref<32x40x128xi32, #tpu.memory_space<hbm>>, %arg3: memref<32x40x128xi32, #tpu.memory_space<hbm>>, %arg4: memref<163840xf32, #tpu.memory_space<hbm>>, %arg5: memref<2x10240xf32, #tpu.memory_space<hbm>>, %arg6: memref<2x10240xf32, #tpu.memory_space<hbm>>, %arg7: memref<40x128xi32, #tpu.memory_space<vmem>>, %arg8: memref<40x128xi32, #tpu.memory_space<vmem>>, %arg9: memref<5120xf32, #tpu.memory_space<vmem>>, %arg10: memref<128xf32, #tpu.memory_space<vmem>>, %arg11: memref<640xf32, #tpu.memory_space<vmem>>, %arg12: memref<10240xf32, #tpu.memory_space<vmem_shared>>, %arg13: memref<10240xf32, #tpu.memory_space<vmem_shared>>) attributes {dimension_semantics = [#tpu.dimension_semantics<core_parallel>, #tpu.dimension_semantics<subcore_parallel>], iteration_bounds = array<i64: 2, 16>, scalar_prefetch = 0 : i64, scratch_operands = 7 : i64, tpu.core_type = #tpu.core_type<sc_vector_subcore>, window_params = [{transform_indices = #map}, {transform_indices = #map}, {transform_indices = #map1}, {transform_indices = #map2}, {transform_indices = #map2}]} {
    %mul3A = arith.constant 16 : i32
    %mul3A_0 = arith.muli %arg0, %mul3A : i32
    %add3A = arith.addi %mul3A_0, %arg1 : i32
    %broadcast_in_dim3A = arith.constant 0.000000e+00 : f32
    %broadcast_in_dim3A_1 = vector.broadcast %broadcast_in_dim3A : f32 to vector<16xf32>
    %broadcast_in_dim3A_2 = arith.constant 1.000000e+00 : f32
    %broadcast_in_dim3A_3 = vector.broadcast %broadcast_in_dim3A_2 : f32 to vector<16xf32>
    %mul3A_4 = arith.constant 640 : i32
    %mul3A_5 = arith.muli %arg1, %mul3A_4 : i32
    %scan3A = arith.constant 0 : i32
    %scan3A_6 = arith.constant 40 : i32
    %scan3A_7 = arith.addi %scan3A, %scan3A_6 : i32
    %scan3A_8 = arith.constant 1 : i32
    scf.for %scan3A_23 = %scan3A to %scan3A_7 step %scan3A_8  : i32 {
      %mul3A_24 = arith.constant 16 : i32
      %mul3A_25 = arith.muli %scan3A_23, %mul3A_24 : i32
      %add3A_26 = arith.constant 0 : i32
      %add3A_27 = arith.addi %add3A_26, %mul3A_25 : i32
      %swap3A = arith.index_cast %add3A_27 : i32 to index
      %swap3A_28 = tpu.vector_load %arg11[%swap3A] {strides = array<i32>} : memref<640xf32, #tpu.memory_space<vmem>>, vector<16xf32>,
      tpu.vector_store %arg11[%swap3A], %broadcast_in_dim3A_1 {strides = array<i32>} : memref<640xf32, #tpu.memory_space<vmem>>, vector<16xf32>,
    }
    %scan3A_9 = arith.constant 40 : i32
    %scan3A_10 = arith.constant 0 : i32
    %scan3A_11 = arith.constant 8 : i32
    %scan3A_12 = arith.addi %scan3A_10, %scan3A_11 : i32
    %scan3A_13 = arith.constant 1 : i32
    scf.for %scan3A_23 = %scan3A_10 to %scan3A_12 step %scan3A_13  : i32 {
      %mul3A_24 = arith.constant 16 : i32
      %mul3A_25 = arith.muli %scan3A_23, %mul3A_24 : i32
      %add3A_26 = arith.constant 0 : i32
      %add3A_27 = arith.addi %add3A_26, %mul3A_25 : i32
      %swap3A = arith.index_cast %add3A_27 : i32 to index
      %swap3A_28 = tpu.vector_load %arg10[%swap3A] {strides = array<i32>} : memref<128xf32, #tpu.memory_space<vmem>>, vector<16xf32>,
      tpu.vector_store %arg10[%swap3A], %broadcast_in_dim3A_3 {strides = array<i32>} : memref<128xf32, #tpu.memory_space<vmem>>, vector<16xf32>,
    }
    %scan3A_14 = arith.constant 8 : i32
    "tpu.region"() ({
      %run_scoped3A = tpu.sem_alloc : memref<!tpu.dma_semaphore, #tpu.memory_space<semaphore_mem>>
      %dma_start3A = tpu.memref_slice %arg12[%mul3A_5] : memref<10240xf32, #tpu.memory_space<vmem_shared>> -> memref<640xf32, #tpu.memory_space<vmem_shared>>
      %dma_start3A_23 = tpu.memref_slice %arg12[%mul3A_5] : memref<10240xf32, #tpu.memory_space<vmem_shared>> -> memref<640xf32, #tpu.memory_space<vmem_shared>>
      tpu.enqueue_dma source(%arg11 : memref<640xf32, #tpu.memory_space<vmem>>) target(%dma_start3A_23 : memref<640xf32, #tpu.memory_space<vmem_shared>>) target_semaphore(%run_scoped3A : memref<!tpu.dma_semaphore, #tpu.memory_space<semaphore_mem>>)
      %dma_wait3A = tpu.memref_slice %arg12[%mul3A_5] : memref<10240xf32, #tpu.memory_space<vmem_shared>> -> memref<640xf32, #tpu.memory_space<vmem_shared>>
      %dma_wait3A_24 = tpu.memref_slice %arg12[%mul3A_5] : memref<10240xf32, #tpu.memory_space<vmem_shared>> -> memref<640xf32, #tpu.memory_space<vmem_shared>>
      tpu.wait_dma2 semaphore(%run_scoped3A : memref<!tpu.dma_semaphore, #tpu.memory_space<semaphore_mem>>) src(%arg11 : memref<640xf32, #tpu.memory_space<vmem>>) dst(%dma_wait3A_24 : memref<640xf32, #tpu.memory_space<vmem_shared>>)
      tpu.yield
    }) : () -> ()
    "tpu.region"() ({
      %run_scoped3A = tpu.sem_alloc : memref<!tpu.dma_semaphore, #tpu.memory_space<semaphore_mem>>
      %dma_start3A = tpu.memref_slice %arg13[%mul3A_5] : memref<10240xf32, #tpu.memory_space<vmem_shared>> -> memref<640xf32, #tpu.memory_space<vmem_shared>>
      %dma_start3A_23 = tpu.memref_slice %arg13[%mul3A_5] : memref<10240xf32, #tpu.memory_space<vmem_shared>> -> memref<640xf32, #tpu.memory_space<vmem_shared>>
      tpu.enqueue_dma source(%arg11 : memref<640xf32, #tpu.memory_space<vmem>>) target(%dma_start3A_23 : memref<640xf32, #tpu.memory_space<vmem_shared>>) target_semaphore(%run_scoped3A : memref<!tpu.dma_semaphore, #tpu.memory_space<semaphore_mem>>)
      %dma_wait3A = tpu.memref_slice %arg13[%mul3A_5] : memref<10240xf32, #tpu.memory_space<vmem_shared>> -> memref<640xf32, #tpu.memory_space<vmem_shared>>
      %dma_wait3A_24 = tpu.memref_slice %arg13[%mul3A_5] : memref<10240xf32, #tpu.memory_space<vmem_shared>> -> memref<640xf32, #tpu.memory_space<vmem_shared>>
      tpu.wait_dma2 semaphore(%run_scoped3A : memref<!tpu.dma_semaphore, #tpu.memory_space<semaphore_mem>>) src(%arg11 : memref<640xf32, #tpu.memory_space<vmem>>) dst(%dma_wait3A_24 : memref<640xf32, #tpu.memory_space<vmem_shared>>)
      tpu.yield
    }) : () -> ()
    "tpu.region"() ({
      %run_scoped3A = tpu.sem_alloc : memref<!tpu.dma_semaphore, #tpu.memory_space<semaphore_mem>>
      %dma_start3A = arith.constant 0 : i32
      %dma_start3A_23 = arith.constant 0 : i32
      %dma_start3A_24 = tpu.memref_slice %arg2[%add3A, %dma_start3A, %dma_start3A_23] : memref<32x40x128xi32, #tpu.memory_space<hbm>> -> memref<1x40x128xi32, #tpu.memory_space<hbm>>
      %dma_start3A_25 = tpu.memref_squeeze %dma_start3A_24 : memref<1x40x128xi32, #tpu.memory_space<hbm>> -> memref<40x128xi32, #tpu.memory_space<hbm>>
      %dma_start3A_26 = arith.constant 0 : i32
      %dma_start3A_27 = arith.constant 0 : i32
      %dma_start3A_28 = tpu.memref_slice %arg2[%add3A, %dma_start3A_26, %dma_start3A_27] : memref<32x40x128xi32, #tpu.memory_space<hbm>> -> memref<1x40x128xi32, #tpu.memory_space<hbm>>
      %dma_start3A_29 = tpu.memref_squeeze %dma_start3A_28 : memref<1x40x128xi32, #tpu.memory_space<hbm>> -> memref<40x128xi32, #tpu.memory_space<hbm>>
      tpu.enqueue_dma source(%dma_start3A_29 : memref<40x128xi32, #tpu.memory_space<hbm>>) target(%arg7 : memref<40x128xi32, #tpu.memory_space<vmem>>) target_semaphore(%run_scoped3A : memref<!tpu.dma_semaphore, #tpu.memory_space<semaphore_mem>>)
      %dma_wait3A = arith.constant 0 : i32
      %dma_wait3A_30 = arith.constant 0 : i32
      %dma_wait3A_31 = tpu.memref_slice %arg2[%add3A, %dma_wait3A, %dma_wait3A_30] : memref<32x40x128xi32, #tpu.memory_space<hbm>> -> memref<1x40x128xi32, #tpu.memory_space<hbm>>
      %dma_wait3A_32 = tpu.memref_squeeze %dma_wait3A_31 : memref<1x40x128xi32, #tpu.memory_space<hbm>> -> memref<40x128xi32, #tpu.memory_space<hbm>>
      %dma_wait3A_33 = arith.constant 0 : i32
      %dma_wait3A_34 = arith.constant 0 : i32
      %dma_wait3A_35 = tpu.memref_slice %arg2[%add3A, %dma_wait3A_33, %dma_wait3A_34] : memref<32x40x128xi32, #tpu.memory_space<hbm>> -> memref<1x40x128xi32, #tpu.memory_space<hbm>>
      %dma_wait3A_36 = tpu.memref_squeeze %dma_wait3A_35 : memref<1x40x128xi32, #tpu.memory_space<hbm>> -> memref<40x128xi32, #tpu.memory_space<hbm>>
      tpu.wait_dma2 semaphore(%run_scoped3A : memref<!tpu.dma_semaphore, #tpu.memory_space<semaphore_mem>>) src(%dma_wait3A_36 : memref<40x128xi32, #tpu.memory_space<hbm>>) dst(%arg7 : memref<40x128xi32, #tpu.memory_space<vmem>>)
      tpu.yield
    }) : () -> ()
    "tpu.region"() ({
      %run_scoped3A = tpu.sem_alloc : memref<!tpu.dma_semaphore, #tpu.memory_space<semaphore_mem>>
      %dma_start3A = arith.constant 0 : i32
      %dma_start3A_23 = arith.constant 0 : i32
      %dma_start3A_24 = tpu.memref_slice %arg3[%add3A, %dma_start3A, %dma_start3A_23] : memref<32x40x128xi32, #tpu.memory_space<hbm>> -> memref<1x40x128xi32, #tpu.memory_space<hbm>>
      %dma_start3A_25 = tpu.memref_squeeze %dma_start3A_24 : memref<1x40x128xi32, #tpu.memory_space<hbm>> -> memref<40x128xi32, #tpu.memory_space<hbm>>
      %dma_start3A_26 = arith.constant 0 : i32
      %dma_start3A_27 = arith.constant 0 : i32
      %dma_start3A_28 = tpu.memref_slice %arg3[%add3A, %dma_start3A_26, %dma_start3A_27] : memref<32x40x128xi32, #tpu.memory_space<hbm>> -> memref<1x40x128xi32, #tpu.memory_space<hbm>>
      %dma_start3A_29 = tpu.memref_squeeze %dma_start3A_28 : memref<1x40x128xi32, #tpu.memory_space<hbm>> -> memref<40x128xi32, #tpu.memory_space<hbm>>
      tpu.enqueue_dma source(%dma_start3A_29 : memref<40x128xi32, #tpu.memory_space<hbm>>) target(%arg8 : memref<40x128xi32, #tpu.memory_space<vmem>>) target_semaphore(%run_scoped3A : memref<!tpu.dma_semaphore, #tpu.memory_space<semaphore_mem>>)
      %dma_wait3A = arith.constant 0 : i32
      %dma_wait3A_30 = arith.constant 0 : i32
      %dma_wait3A_31 = tpu.memref_slice %arg3[%add3A, %dma_wait3A, %dma_wait3A_30] : memref<32x40x128xi32, #tpu.memory_space<hbm>> -> memref<1x40x128xi32, #tpu.memory_space<hbm>>
      %dma_wait3A_32 = tpu.memref_squeeze %dma_wait3A_31 : memref<1x40x128xi32, #tpu.memory_space<hbm>> -> memref<40x128xi32, #tpu.memory_space<hbm>>
      %dma_wait3A_33 = arith.constant 0 : i32
      %dma_wait3A_34 = arith.constant 0 : i32
      %dma_wait3A_35 = tpu.memref_slice %arg3[%add3A, %dma_wait3A_33, %dma_wait3A_34] : memref<32x40x128xi32, #tpu.memory_space<hbm>> -> memref<1x40x128xi32, #tpu.memory_space<hbm>>
      %dma_wait3A_36 = tpu.memref_squeeze %dma_wait3A_35 : memref<1x40x128xi32, #tpu.memory_space<hbm>> -> memref<40x128xi32, #tpu.memory_space<hbm>>
      tpu.wait_dma2 semaphore(%run_scoped3A : memref<!tpu.dma_semaphore, #tpu.memory_space<semaphore_mem>>) src(%dma_wait3A_36 : memref<40x128xi32, #tpu.memory_space<hbm>>) dst(%arg8 : memref<40x128xi32, #tpu.memory_space<vmem>>)
      tpu.yield
    }) : () -> ()
    %mul3A_15 = arith.constant 5120 : i32
    %mul3A_16 = arith.muli %add3A, %mul3A_15 : i32
    "tpu.region"() ({
      %run_scoped3A = tpu.sem_alloc : memref<!tpu.dma_semaphore, #tpu.memory_space<semaphore_mem>>
      %dma_start3A = tpu.memref_slice %arg4[%mul3A_16] : memref<163840xf32, #tpu.memory_space<hbm>> -> memref<5120xf32, #tpu.memory_space<hbm>>
      %dma_start3A_23 = tpu.memref_slice %arg4[%mul3A_16] : memref<163840xf32, #tpu.memory_space<hbm>> -> memref<5120xf32, #tpu.memory_space<hbm>>
      tpu.enqueue_dma source(%dma_start3A_23 : memref<5120xf32, #tpu.memory_space<hbm>>) target(%arg9 : memref<5120xf32, #tpu.memory_space<vmem>>) target_semaphore(%run_scoped3A : memref<!tpu.dma_semaphore, #tpu.memory_space<semaphore_mem>>)
      %dma_wait3A = tpu.memref_slice %arg4[%mul3A_16] : memref<163840xf32, #tpu.memory_space<hbm>> -> memref<5120xf32, #tpu.memory_space<hbm>>
      %dma_wait3A_24 = tpu.memref_slice %arg4[%mul3A_16] : memref<163840xf32, #tpu.memory_space<hbm>> -> memref<5120xf32, #tpu.memory_space<hbm>>
      tpu.wait_dma2 semaphore(%run_scoped3A : memref<!tpu.dma_semaphore, #tpu.memory_space<semaphore_mem>>) src(%dma_wait3A_24 : memref<5120xf32, #tpu.memory_space<hbm>>) dst(%arg9 : memref<5120xf32, #tpu.memory_space<vmem>>)
      tpu.yield
    }) : () -> ()
    %barrier3A = arith.constant 0 : index
    tpu.barrier barrier_id(%barrier3A)
    %scan3A_17 = arith.constant 0 : i32
    %scan3A_18 = arith.constant 40 : i32
    %scan3A_19 = arith.addi %scan3A_17, %scan3A_18 : i32
    %scan3A_20 = arith.constant 1 : i32
    scf.for %scan3A_23 = %scan3A_17 to %scan3A_19 step %scan3A_20  : i32 {
      %mul3A_24 = arith.constant 1 : i32
      %mul3A_25 = arith.muli %scan3A_23, %mul3A_24 : i32
      %add3A_26 = arith.constant 0 : i32
      %add3A_27 = arith.addi %add3A_26, %mul3A_25 : i32
      %mul3A_28 = arith.constant 128 : i32
      %mul3A_29 = arith.muli %add3A_27, %mul3A_28 : i32
      "tpu.region"() ({
        %run_scoped3A = tpu.sem_alloc : memref<!tpu.dma_semaphore, #tpu.memory_space<semaphore_mem>>
        %dma_start3A = tpu.memref_slice %arg9[%mul3A_29] : memref<5120xf32, #tpu.memory_space<vmem>> -> memref<128xf32, #tpu.memory_space<vmem>>
        %dma_start3A_30 = arith.constant 0 : i32
        %dma_start3A_31 = tpu.memref_slice %arg8[%add3A_27, %dma_start3A_30] : memref<40x128xi32, #tpu.memory_space<vmem>> -> memref<1x128xi32, #tpu.memory_space<vmem>>
        %dma_start3A_32 = tpu.memref_squeeze %dma_start3A_31 : memref<1x128xi32, #tpu.memory_space<vmem>> -> memref<128xi32, #tpu.memory_space<vmem>>
        %dma_start3A_33 = arith.constant 0 : i32
        %dma_start3A_34 = tpu.memref_slice %arg12[%dma_start3A_33] : memref<10240xf32, #tpu.memory_space<vmem_shared>> -> memref<10240xf32, #tpu.memory_space<vmem_shared>>
        tpu.enqueue_indirect_dma source(%dma_start3A : memref<128xf32, #tpu.memory_space<vmem>>) target(%dma_start3A_34 : memref<10240xf32, #tpu.memory_space<vmem_shared>>) offsets(%dma_start3A_32 : memref<128xi32, #tpu.memory_space<vmem>>) semaphore(%run_scoped3A : memref<!tpu.dma_semaphore, #tpu.memory_space<semaphore_mem>>) {add = true}
        %dma_wait3A = tpu.memref_slice %arg9[%mul3A_29] : memref<5120xf32, #tpu.memory_space<vmem>> -> memref<128xf32, #tpu.memory_space<vmem>>
        %dma_wait3A_35 = arith.constant 0 : i32
        %dma_wait3A_36 = tpu.memref_slice %arg8[%add3A_27, %dma_wait3A_35] : memref<40x128xi32, #tpu.memory_space<vmem>> -> memref<1x128xi32, #tpu.memory_space<vmem>>
        %dma_wait3A_37 = tpu.memref_squeeze %dma_wait3A_36 : memref<1x128xi32, #tpu.memory_space<vmem>> -> memref<128xi32, #tpu.memory_space<vmem>>
        %dma_wait3A_38 = arith.constant 0 : i32
        %dma_wait3A_39 = tpu.memref_slice %arg12[%dma_wait3A_38] : memref<10240xf32, #tpu.memory_space<vmem_shared>> -> memref<10240xf32, #tpu.memory_space<vmem_shared>>
        tpu.wait_indirect_dma semaphore(%run_scoped3A : memref<!tpu.dma_semaphore, #tpu.memory_space<semaphore_mem>>) src(%dma_wait3A : memref<128xf32, #tpu.memory_space<vmem>>) dst(%dma_wait3A_39 : memref<10240xf32, #tpu.memory_space<vmem_shared>>)
        tpu.yield
      }) : () -> ()
      "tpu.region"() ({
        %run_scoped3A = tpu.sem_alloc : memref<!tpu.dma_semaphore, #tpu.memory_space<semaphore_mem>>
        %dma_start3A = arith.constant 0 : i32
        %dma_start3A_30 = tpu.memref_slice %arg7[%add3A_27, %dma_start3A] : memref<40x128xi32, #tpu.memory_space<vmem>> -> memref<1x128xi32, #tpu.memory_space<vmem>>
        %dma_start3A_31 = tpu.memref_squeeze %dma_start3A_30 : memref<1x128xi32, #tpu.memory_space<vmem>> -> memref<128xi32, #tpu.memory_space<vmem>>
        %dma_start3A_32 = arith.constant 0 : i32
        %dma_start3A_33 = tpu.memref_slice %arg13[%dma_start3A_32] : memref<10240xf32, #tpu.memory_space<vmem_shared>> -> memref<10240xf32, #tpu.memory_space<vmem_shared>>
        tpu.enqueue_indirect_dma source(%arg10 : memref<128xf32, #tpu.memory_space<vmem>>) target(%dma_start3A_33 : memref<10240xf32, #tpu.memory_space<vmem_shared>>) offsets(%dma_start3A_31 : memref<128xi32, #tpu.memory_space<vmem>>) semaphore(%run_scoped3A : memref<!tpu.dma_semaphore, #tpu.memory_space<semaphore_mem>>) {add = true}
        %dma_wait3A = arith.constant 0 : i32
        %dma_wait3A_34 = tpu.memref_slice %arg7[%add3A_27, %dma_wait3A] : memref<40x128xi32, #tpu.memory_space<vmem>> -> memref<1x128xi32, #tpu.memory_space<vmem>>
        %dma_wait3A_35 = tpu.memref_squeeze %dma_wait3A_34 : memref<1x128xi32, #tpu.memory_space<vmem>> -> memref<128xi32, #tpu.memory_space<vmem>>
        %dma_wait3A_36 = arith.constant 0 : i32
        %dma_wait3A_37 = tpu.memref_slice %arg13[%dma_wait3A_36] : memref<10240xf32, #tpu.memory_space<vmem_shared>> -> memref<10240xf32, #tpu.memory_space<vmem_shared>>
        tpu.wait_indirect_dma semaphore(%run_scoped3A : memref<!tpu.dma_semaphore, #tpu.memory_space<semaphore_mem>>) src(%arg10 : memref<128xf32, #tpu.memory_space<vmem>>) dst(%dma_wait3A_37 : memref<10240xf32, #tpu.memory_space<vmem_shared>>)
        tpu.yield
      }) : () -> ()
    }
    %scan3A_21 = arith.constant 40 : i32
    %barrier3A_22 = arith.constant 0 : index
    tpu.barrier barrier_id(%barrier3A_22)
    "tpu.region"() ({
      %run_scoped3A = tpu.sem_alloc : memref<!tpu.dma_semaphore, #tpu.memory_space<semaphore_mem>>
      %dma_start3A = tpu.memref_slice %arg5[%arg0, %mul3A_5] : memref<2x10240xf32, #tpu.memory_space<hbm>> -> memref<1x640xf32, #tpu.memory_space<hbm>>
      %dma_start3A_23 = tpu.memref_squeeze %dma_start3A : memref<1x640xf32, #tpu.memory_space<hbm>> -> memref<640xf32, #tpu.memory_space<hbm>>
      %dma_start3A_24 = tpu.memref_slice %arg12[%mul3A_5] : memref<10240xf32, #tpu.memory_space<vmem_shared>> -> memref<640xf32, #tpu.memory_space<vmem_shared>>
      tpu.enqueue_dma source(%dma_start3A_24 : memref<640xf32, #tpu.memory_space<vmem_shared>>) target(%dma_start3A_23 : memref<640xf32, #tpu.memory_space<hbm>>) target_semaphore(%run_scoped3A : memref<!tpu.dma_semaphore, #tpu.memory_space<semaphore_mem>>)
      %dma_wait3A = tpu.memref_slice %arg5[%arg0, %mul3A_5] : memref<2x10240xf32, #tpu.memory_space<hbm>> -> memref<1x640xf32, #tpu.memory_space<hbm>>
      %dma_wait3A_25 = tpu.memref_squeeze %dma_wait3A : memref<1x640xf32, #tpu.memory_space<hbm>> -> memref<640xf32, #tpu.memory_space<hbm>>
      %dma_wait3A_26 = tpu.memref_slice %arg12[%mul3A_5] : memref<10240xf32, #tpu.memory_space<vmem_shared>> -> memref<640xf32, #tpu.memory_space<vmem_shared>>
      tpu.wait_dma2 semaphore(%run_scoped3A : memref<!tpu.dma_semaphore, #tpu.memory_space<semaphore_mem>>) src(%dma_wait3A_26 : memref<640xf32, #tpu.memory_space<vmem_shared>>) dst(%dma_wait3A_25 : memref<640xf32, #tpu.memory_space<hbm>>)
      tpu.yield
    }) : () -> ()
    "tpu.region"() ({
      %run_scoped3A = tpu.sem_alloc : memref<!tpu.dma_semaphore, #tpu.memory_space<semaphore_mem>>
      %dma_start3A = tpu.memref_slice %arg6[%arg0, %mul3A_5] : memref<2x10240xf32, #tpu.memory_space<hbm>> -> memref<1x640xf32, #tpu.memory_space<hbm>>
      %dma_start3A_23 = tpu.memref_squeeze %dma_start3A : memref<1x640xf32, #tpu.memory_space<hbm>> -> memref<640xf32, #tpu.memory_space<hbm>>
      %dma_start3A_24 = tpu.memref_slice %arg13[%mul3A_5] : memref<10240xf32, #tpu.memory_space<vmem_shared>> -> memref<640xf32, #tpu.memory_space<vmem_shared>>
      tpu.enqueue_dma source(%dma_start3A_24 : memref<640xf32, #tpu.memory_space<vmem_shared>>) target(%dma_start3A_23 : memref<640xf32, #tpu.memory_space<hbm>>) target_semaphore(%run_scoped3A : memref<!tpu.dma_semaphore, #tpu.memory_space<semaphore_mem>>)
      %dma_wait3A = tpu.memref_slice %arg6[%arg0, %mul3A_5] : memref<2x10240xf32, #tpu.memory_space<hbm>> -> memref<1x640xf32, #tpu.memory_space<hbm>>
      %dma_wait3A_25 = tpu.memref_squeeze %dma_wait3A : memref<1x640xf32, #tpu.memory_space<hbm>> -> memref<640xf32, #tpu.memory_space<hbm>>
      %dma_wait3A_26 = tpu.memref_slice %arg13[%mul3A_5] : memref<10240xf32, #tpu.memory_space<vmem_shared>> -> memref<640xf32, #tpu.memory_space<vmem_shared>>
      tpu.wait_dma2 semaphore(%run_scoped3A : memref<!tpu.dma_semaphore, #tpu.memory_space<semaphore_mem>>) src(%dma_wait3A_26 : memref<640xf32, #tpu.memory_space<vmem_shared>>) dst(%dma_wait3A_25 : memref<640xf32, #tpu.memory_space<hbm>>)
      tpu.yield
    }) : () -> ()
    return
  }
}

</mosaic_0001>

<sc_bundles>
// kernel: _k0.3.cloned.1.call-start
scs
__scs_entry_jumppad:
0x0: {  	(pc) =	sbr.rel $0x88, $3  }
0x1: {  	(tag) =	ssettag $0x0;
	lr =	simm.s32 $0x1  }
0x2: {  	[smem:$0x3F9E] =	sst lr;
	_ =	strace $0xD0000000  }
0x3: {  	_ = 	snop  }
0x4: {  	_ = 	snop  }
0x5: {  	_ = 	snop  }
0x6: {  	_ = 	snop  }
0x7: {  	_ = 	snop  }
__scs_overlays_trampoline_lowered:
0x8: {  	[smem:$0x3FAD] =	sst s0  }
0x9: {  	[smem:$0x3FAE] =	sst s1  }
0xa: {  	[smem:$0x3FAF] =	sst s2  }
0xb: {  	[smem:$0x3FB0] =	sst s3  }
0xc: {  	[smem:$0x3FB1] =	sst s4  }
0xd: {  	[smem:$0x3FB2] =	sst s5  }
0xe: {  	[smem:$0x3FB3] =	sst s6  }
0xf: {  	[smem:$0x3FB4] =	sst s7  }
0x10: {  	[smem:$0x3FB5] =	sst s8  }
0x11: {  	[smem:$0x3FB6] =	sst s9;
	s0 =	simm.s32 @!p0 $0x0  }
0x12: {  	s1 =	sld [smem:$0x3F9C];
	s0 =	simm.s32 @p0 $0x1  }
0x13: {  	[smem:$0x3FB7] =	sst s0;
	s0 =	simm.s32 @!p1 $0x0  }
0x14: {  	s2 =	sld [smem:$0x3F9B];
	s0 =	simm.s32 @p1 $0x1  }
0x15: {  	[smem:$0x3FB8] =	sst s0;
	s0 =	simm.s32 @!p2 $0x0  }
0x16: {  	s3 =	sld [smem:$0x3FDB];
	s0 =	simm.s32 @p2 $0x1  }
0x17: {  	s4 =	simm.s32 $0x1BF5;
	[smem:$0x3FBA] =	sst s0  }
0x18: {  	s0 =	sld [smem:$0x3F9D];
	_ =	swait.ge [sflag:s4], $0x0  }
0x19: {  	s7 =	sld [smem:$0x3F9E]  }
0x1a: {  	s8 =	sadd.s32 $0xFFFFE003, lr  }
0x1b: {  	s9 =	sadd.s32 $0xFFFFFEF7, lr;
	s5 =	simm.s32 $0xFFFFFFFF;
	p2 =	slt.u32 s8, $0xFFFFF086  }
0x1c: {  	p1 =	slt.u32 s9, $0xF7A;
	s5 =	simm.s32 @!p2 $0x0  }
0x1d: {  	s5 =	simm.s32 @p1 $0x1;
	p0 =	seq.s32 s7, s2  }
0x1e: {  	s7 =	smul.u32 @!p0 $0xF7A, s2;
	p2 =	seq.s32 @!p0 s5, $0x0  }
0x1f: {  	s9 =	smul.u32 $0xF7A, s1;
	s8 =	simm.s32 @!p0 $0x1BF5;
	p2 =	por !p2, p0  }
0x20: {  	[sflag:s8] =	ssyncset.s32 @!p0 $0xFFFFF086;
	s6 =	sadd.s32 @!p0 s3, s7;
	s7 =	simm.s32 @!p0 $0x108  }
0x21: {  	s3 =	sadd.s32 s3, s9;
	s6 =	sadd.s32 @!p0 $0x88, s6;
	s7 =	simm.s32 @p2 $0x1082  }
0x22: {  	[simem:s7], [sflag:s8] =	dma.local @!p0 [hbm:s6], $0xF7A  }
0x23: {  	s9 =	sor.u32 $0xD0000000, s2;
	s6 =	simm.s32 $0x108;
	_ =	swait.ge @!p0 [sflag:s8], $0x0  }
0x24: {  	s3 =	sadd.s32 $0x88, s3;
	s6 =	simm.s32 @!p1 $0x1082;
	[sflag:s4] =	ssyncset.s32 $0xFFFFF086  }
0x25: {  	[simem:s6], [sflag:s4] =	dma.local [hbm:s3], $0xF7A  }
0x26: {  	[smem:$0x3F9E] =	sst s1;
	(tag) =	ssettag s2;
	_ =	strace s9  }
0x27: {  	s1 =	sld [smem:$0x3FAE]  }
0x28: {  	s2 =	sld [smem:$0x3FAF]  }
0x29: {  	s4 =	sld [smem:$0x3FB1]  }
0x2a: {  	p0 =	seq.s32 s5, $0x0;
	s5 =	sld [smem:$0x3FB2]  }
0x2b: {  	s6 =	sld [smem:$0x3FB3]  }
0x2c: {  	s7 =	sld [smem:$0x3FB4]  }
0x2d: {  	s3 =	simm.s32 $0x108;
	s8 =	sld [smem:$0x3FB5]  }
0x2e: {  	s3 =	simm.s32 @!p0 $0x1082;
	s9 =	sld [smem:$0x3FB6]  }
0x2f: {  	lr =	sadd.s32 s0, s3;
	s0 =	sld [smem:$0x3FAD]  }
0x30: {  	s3 =	sld [smem:$0x3FB0]  }
0x31: {  	[smem:$0x3FB9] =	sst s10  }
0x32: {  	s10 =	sld [smem:$0x3FB7];
	_ =	sdelay $0x3  }
0x33: {  	p0 =	seq.s32 s10, $0x1;
	s10 =	sld [smem:$0x3FB9];
	_ =	sdelay $0x3  }
0x34: {  	[smem:$0x3FB9] =	sst s10  }
0x35: {  	s10 =	sld [smem:$0x3FB8];
	_ =	sdelay $0x3  }
0x36: {  	p1 =	seq.s32 s10, $0x1;
	s10 =	sld [smem:$0x3FB9];
	_ =	sdelay $0x3  }
0x37: {  	[smem:$0x3FB9] =	sst s10  }
0x38: {  	s10 =	sld [smem:$0x3FBA]  }
0x39: {  	_ = 	snop;
	(pc) =	sbr.ind lr, $3  }
0x3a: {  	_ = 	snop  }
0x3b: {  	_ = 	snop  }
0x3c: {  	p2 =	seq.s32 s10, $0x1;
	s10 =	sld [smem:$0x3FB9]  }
0x3d: {  	_ =	shalt  }
0x3e: {  	_ =	shalt  }
0x3f: {  	_ =	shalt  }
0x40: {  	_ =	shalt  }
0x41: {  	_ =	shalt  }
0x42: {  	_ =	shalt  }
0x43: {  	_ =	shalt  }
0x44: {  	_ =	shalt  }
0x45: {  	_ =	shalt  }
0x46: {  	_ =	shalt  }
0x47: {  	_ =	shalt  }
0x48: {  	_ =	shalt  }
0x49: {  	_ =	shalt  }
0x4a: {  	_ =	shalt  }
0x4b: {  	_ =	shalt  }
0x4c: {  	_ =	shalt  }
0x4d: {  	_ =	shalt  }
0x4e: {  	_ =	shalt  }
0x4f: {  	_ =	shalt  }
0x50: {  	_ =	shalt  }
0x51: {  	_ =	shalt  }
0x52: {  	_ =	shalt  }
0x53: {  	_ =	shalt  }
0x54: {  	_ =	shalt  }
0x55: {  	_ =	shalt  }
0x56: {  	_ =	shalt  }
0x57: {  	_ =	shalt  }
0x58: {  	_ =	shalt  }
0x59: {  	_ =	shalt  }
0x5a: {  	_ =	shalt  }
0x5b: {  	_ =	shalt  }
0x5c: {  	_ =	shalt  }
0x5d: {  	_ =	shalt  }
0x5e: {  	_ =	shalt  }
0x5f: {  	_ =	shalt  }
0x60: {  	_ =	shalt  }
0x61: {  	_ =	shalt  }
0x62: {  	_ =	shalt  }
0x63: {  	_ =	shalt  }
0x64: {  	_ =	shalt  }
0x65: {  	_ =	shalt  }
0x66: {  	_ =	shalt  }
0x67: {  	_ =	shalt  }
0x68: {  	_ =	shalt  }
0x69: {  	_ =	shalt  }
0x6a: {  	_ =	shalt  }
0x6b: {  	_ =	shalt  }
0x6c: {  	_ =	shalt  }
0x6d: {  	_ =	shalt  }
0x6e: {  	_ =	shalt  }
0x6f: {  	_ =	shalt  }
0x70: {  	_ =	shalt  }
0x71: {  	_ =	shalt  }
0x72: {  	_ =	shalt  }
0x73: {  	_ =	shalt  }
0x74: {  	_ =	shalt  }
0x75: {  	_ =	shalt  }
0x76: {  	_ =	shalt  }
0x77: {  	_ =	shalt  }
0x78: {  	_ =	shalt  }
0x79: {  	_ =	shalt  }
0x7a: {  	_ =	shalt  }
0x7b: {  	_ =	shalt  }
0x7c: {  	_ =	shalt  }
0x7d: {  	_ =	shalt  }
0x7e: {  	_ =	shalt  }
0x7f: {  	_ =	shalt  }
0x80: {  	_ =	shalt  }
0x81: {  	_ =	shalt  }
0x82: {  	_ =	shalt  }
0x83: {  	_ =	shalt  }
0x84: {  	_ =	shalt  }
0x85: {  	_ =	shalt  }
0x86: {  	_ =	shalt  }
0x87: {  	_ =	shalt  }
.Lfunc_end0:
.L_simem_size_0:
called_computation_lowered:
.L_overlay_start_0:
0x88: {  	s2 =	sld [smem:$0x3FD9]  }
0x89: {  	s3 =	sld [smem:$0x3FFE];
	_ =	sdelay $0x1  }
0x8a: {  	s1 =	srdreg.scid  }
0x8b: {  	s0 =	sand.u32 $0x1, s1  }
0x8c: {  	s15 =	sshll.u32 s0, $0xA;
	s2 =	sadd.s32 s3, s2  }
0x8d: {  	s2 =	sadd.s32 s2, s15  }
0x8e: {  	[smem:$0x3FC5] =	sst s2  }
0x8f: {  	_ = 	snop  }
0x90: {  	s2 =	sld [smem:$0x3FD0]  }
0x91: {  	s16 =	sld [smem:$0x3FC9]  }
0x92: {  	s4 =	sld [smem:$0x3FC8]  }
0x93: {  	s6 =	simm.s32 $0xA;
	s7 =	simm.s32 $0x10;
	s5 =	sld [smem:$0x3FC7]  }
0x94: {  	[smem:s7], [sflag:s6] =	dma.local [hbm:s2], $0x1  }
0x95: {  	_ =	swait.eq [sflag:s6], $0x1  }
0x96: {  	[sflag:s6] =	ssyncset.done $0x0  }
0x97: {  	s17 =	sld [smem:$0x10];
	[sflag:s6] =	ssyncadd.s32 $0xFFFFFFFF  }
0x98: {  	s18 =	sld [smem:$0x11];
	(tm) =	ssettm $0x1  }
0x99: {  	s19 =	sld [smem:$0x3FFB];
	_ =	sdelay $0x3  }
0x9a: {  	_ =	strace s19  }
0x9b: {  	s7 =	sld [smem:$0x3FFC];
	_ =	sdelay $0x3  }
0x9c: {  	_ =	strace s7  }
0x9d: {  	s7 =	sld [smem:$0x3FFD];
	_ =	sdelay $0x3  }
0x9e: {  	_ =	strace s7  }
0x9f: {  	_ =	strace $0x8FFFFFFF  }
0xa0: {  	s20 =	sld [smem:$0x3FDB];
	_ =	sdelay $0x1  }
0xa1: {  	s8 =	simm.s32 $_scs_section_size  }
0xa2: {  	s9 =	simm.s32 $_size__tile_overlayer_lowered;
	s10 =	simm.s32 $_tile_overlayer_lowered  }
0xa3: {  	s23 =	simm.s32 $0x1BFF;
	s22 =	sshll.u32 s10, $0x1;
	s7 =	sadd.s32 s8, s20  }
0xa4: {  	s11 =	simm.s32 $0x0;
	s21 =	sshll.u32 s9, $0x1;
	s9 =	sadd.s32 s22, s7  }
0xa5: {  	[timem:s11], [sflag:s23] =	dma.local [hbm:s9], s21  }
0xa6: {  	_ =	swait.ge [sflag:s23], s21  }
0xa7: {  	s8 =	ssub.s32 $0x0, s21;
	[sflag:s23] =	ssyncset.done $0x0  }
0xa8: {  	[sflag:s23] =	ssyncadd.s32 s8;
	_ =	sdelay $0x1  }
0xa9: {  	s24 =	simm.s32 $0x1B8B  }
0xaa: {  	_ =	swait.ge [sflag:s24], $0x1  }
0xab: {  	[sflag:s24] =	ssyncset.done $0x0  }
0xac: {  	s25 =	simm.s32 $0x1B8E;
	[sflag:s24] =	ssyncadd.s32 $0xFFFFFFFF  }
0xad: {  	s26 =	simm.s32 $execute0_lowered;
	[smem:$0x3FD2] =	sst s25  }
0xae: {  	s8 =	sshll.u32 s26, $0x1;
	_ =	strace $0x80000046;
	[dreg:$0x1] =	wrdreg $0xFFFFFFFF  }
0xaf: {  	s28 =	simm.s32 $_size_execute0_lowered;
	s7 =	sadd.s32 s7, s8;
	[dreg:$0x0] =	wrdreg $0x0  }
0xb0: {  	s8 =	sshll.u32 s28, $0x1;
	[dreg:$0x2] =	wrdreg s7  }
0xb1: {  	[dreg:$0x3] =	wrdreg s8  }
0xb2: {  	[dreg:$0x4] =	wrdreg $0xC0  }
0xb3: {  	_ =	task [dreg:s11], $0x5FFFF  }
0xb4: {  	[dreg:$0x1] =	wrdreg $0xFFFFFFFF  }
0xb5: {  	[dreg:$0x0] =	wrdreg $0x60  }
0xb6: {  	[dreg:$0x2] =	wrdreg s16  }
0xb7: {  	[dreg:$0x3] =	wrdreg s4  }
0xb8: {  	[dreg:$0x4] =	wrdreg s5  }
0xb9: {  	[dreg:$0x5] =	wrdreg s17  }
0xba: {  	[dreg:$0x6] =	wrdreg s18  }
0xbb: {  	[dreg:$0x7] =	wrdreg $0x3F000  }
0xbc: {  	[dreg:$0x8] =	wrdreg $0x41800  }
0xbd: {  	[dreg:$0x9] =	wrdreg $0x9  }
0xbe: {  	_ =	task.clear_ibuf [dreg:s11], $0xAFFFF;
	_ =	strace $0x90000046  }
0xbf: {  	s29 =	simm.s32 $0x9;
	_ =	strace $0x80000048  }
0xc0: {  	_ =	swait.ge [sflag:s29], $0x1  }
0xc1: {  	[sflag:s29] =	ssyncadd.s32 $0xFFFFFFFF  }
0xc2: {  	_ =	strace $0x90000048  }
0xc3: {  	_ =	sfence  }
0xc4: {  	s30 =	sld [smem:$0x0];
	_ =	sdelay $0x2  }
0xc5: {  	s31 =	sshll.u32 s1, $0xD;
	s1 =	sshrl.u32 s1, $0x2  }
0xc6: {  	s3 =	sand.u32 $0x4000, s31;
	s1 =	sadd.s32 s1, s30  }
0xc7: {  	s0 =	sor.u32 s3, s0;
	s1 =	sshll.u32 s1, $0x11  }
0xc8: {  	s0 =	sor.u32 s1, s0  }
0xc9: {  	s0 =	sadd.s32 $0x8F2B, s0  }
0xca: {  	[sflag:s0] =	ssyncadd.remote.s32 $0x1  }
0xcb: {  	_ =	sfence.sel $0xFFFF  }
0xcc: {  	[dreg:$0x0] =	wrdreg $0xFFFFFFFF;
	(pc) =	sbr.abs _section_cstart, $3  }
0xcd: {  	[dreg:$0x1] =	wrdreg $0xFFFFFFFF  }
0xce: {  	_ =	task.clear_ibuf [dreg:s11], $0x2FFFF;
	_ =	strace $0x9FFFFFFF  }
0xcf: {  	(tm) =	ssettm $0x7FFFFFFF  }
tec
execute0_lowered:
.L_overlay_start_1:
0x0: {  	(tag) =	ssettag $0x1  }
0x1: {  	s7 =	rddreg [dreg:$0x0]  }
0x2: {  	s8 =	rddreg [dreg:$0x1]  }
0x3: {  	s9 =	rddreg [dreg:$0x2]  }
0x4: {  	s10 =	rddreg [dreg:$0x3]  }
0x5: {  	s11 =	rddreg [dreg:$0x4]  }
0x6: {  	s1 =	rddreg [dreg:$0x5]  }
0x7: {  	s2 =	rddreg [dreg:$0x6]  }
0x8: {  	s0 =	rddreg [dreg:$0x7];
	s4 =	simm.s32 $0x0;
	s5 =	srdreg.scid  }
0x9: {  	s3 =	stileid.u32;
	s17 =	simm.s32 $0x80;
	s18 =	simm.s32 $0x3C00  }
0xa: {  	s21 =	simm.s32 $0x20;
	s22 =	simm.s32 $0x10;
	s24 =	simm.s32 $0x0  }
0xb: {  	[smem:$0x7FF] =	sst s4;
	s5 =	sand.u32 $0x1, s5;
	s12 =	smul.u32 $0x280, s3  }
0xc: {  	s14 =	smul.u32 $0x500, s3;
	s19 =	sshll.u32 s3, $0x6;
	_ =	strace $0x80000047  }
0xd: {  	s6 =	sshll.u32 s5, $0x4;
	s13 =	ssub.s32 $0x2, s5;
	s30 =	sshll.u32 s5, $0x7  }
0xe: {  	s19 =	sor.u32 $0x1C01, s19;
	s6 =	sor.u32 s3, s6;
	s15 =	sshrl.u32 s13, $0x1  }
0xf: {  	s5 =	sadd.s32 s12, s1;
	s14 =	sor.u32 s30, s14;
	s16 =	smul.u32 $0x280, s6  }
0x10: {  	s13 =	ssub.s32 s13, s15;
	s6 =	sadd.s32 s12, s2;
	s31 =	sshrl.u32 s14, $0x3  }
0x11: {  	s14 =	simm.s32 $0x1;
	s15 =	simm.s32 $0x1400;
	s20 =	sshrl.u32 s5, $0x3  }
0x12: {  	s10 =	sadd.s32 s10, s31;
	s11 =	sadd.s32 s11, s31;
	s12 =	smax.u32 s13, $0x1  }
0x13: {  	s13 =	simm.s32 $0x3C80;
	s23 =	sshrl.u32 s6, $0x3;
	s7 =	sadd.s32 s7, s16  }
0x14: {  	v0 =	vimm.f32 $0.0e+00;
	v1 =	vimm.f32 $1.000000000e+00;
	s8 =	sadd.s32 s8, s16;
	s9 =	sadd.s32 s9, s16;
	s16 =	simm.s32 $0x2800  }
.LBB2_1:
0x15: {  	[tilespmem:$0x3C80] =	vst v0  }
0x16: {  	[tilespmem:$0x3C90] =	vst v0  }
0x17: {  	[tilespmem:$0x3CA0] =	vst v0  }
0x18: {  	[tilespmem:$0x3CB0] =	vst v0  }
0x19: {  	[tilespmem:$0x3CC0] =	vst v0  }
0x1a: {  	[tilespmem:$0x3CD0] =	vst v0  }
0x1b: {  	[tilespmem:$0x3CE0] =	vst v0  }
0x1c: {  	[tilespmem:$0x3CF0] =	vst v0  }
0x1d: {  	[tilespmem:$0x3D00] =	vst v0  }
0x1e: {  	[tilespmem:$0x3D10] =	vst v0  }
0x1f: {  	[tilespmem:$0x3D20] =	vst v0  }
0x20: {  	[tilespmem:$0x3D30] =	vst v0  }
0x21: {  	[tilespmem:$0x3D40] =	vst v0  }
0x22: {  	[tilespmem:$0x3D50] =	vst v0  }
0x23: {  	[tilespmem:$0x3D60] =	vst v0  }
0x24: {  	[tilespmem:$0x3D70] =	vst v0  }
0x25: {  	[tilespmem:$0x3D80] =	vst v0  }
0x26: {  	[tilespmem:$0x3D90] =	vst v0  }
0x27: {  	[tilespmem:$0x3DA0] =	vst v0  }
0x28: {  	[tilespmem:$0x3DB0] =	vst v0  }
0x29: {  	[tilespmem:$0x3DC0] =	vst v0  }
0x2a: {  	[tilespmem:$0x3DD0] =	vst v0  }
0x2b: {  	[tilespmem:$0x3DE0] =	vst v0  }
0x2c: {  	[tilespmem:$0x3DF0] =	vst v0  }
0x2d: {  	[tilespmem:$0x3E00] =	vst v0  }
0x2e: {  	[tilespmem:$0x3E10] =	vst v0  }
0x2f: {  	[tilespmem:$0x3E20] =	vst v0  }
0x30: {  	[tilespmem:$0x3E30] =	vst v0  }
0x31: {  	[tilespmem:$0x3E40] =	vst v0  }
0x32: {  	[tilespmem:$0x3E50] =	vst v0  }
0x33: {  	[tilespmem:$0x3E60] =	vst v0  }
0x34: {  	[tilespmem:$0x3E70] =	vst v0  }
0x35: {  	[tilespmem:$0x3E80] =	vst v0  }
0x36: {  	[tilespmem:$0x3E90] =	vst v0  }
0x37: {  	[tilespmem:$0x3EA0] =	vst v0  }
0x38: {  	[tilespmem:$0x3EB0] =	vst v0  }
0x39: {  	[tilespmem:$0x3EC0] =	vst v0  }
0x3a: {  	[tilespmem:$0x3ED0] =	vst v0  }
0x3b: {  	[tilespmem:$0x3EE0] =	vst v0  }
0x3c: {  	[tilespmem:$0x3EF0] =	vst v0  }
0x3d: {  	[tilespmem:$0x3C00] =	vst v1  }
0x3e: {  	[tilespmem:$0x3C10] =	vst v1  }
0x3f: {  	[tilespmem:$0x3C20] =	vst v1  }
0x40: {  	[tilespmem:$0x3C30] =	vst v1  }
0x41: {  	[tilespmem:$0x3C40] =	vst v1  }
0x42: {  	[tilespmem:$0x3C50] =	vst v1  }
0x43: {  	[tilespmem:$0x3C60] =	vst v1  }
0x44: {  	[tilespmem:$0x3C70] =	vst v1  }
0x45: {  	[spmem:s5] =	stream.linear.scatter [tilespmem:s13], [sflag:$0x1], $0x280, $0x38;
	[tilespmem:$0x4400] =	vst v63  }
0x46: {  	_ =	swait.ge [sflag:s14], $0x280  }
0x47: {  	[sflag:s14] =	ssyncset.done $0x0  }
0x48: {  	[sflag:s14] =	ssyncadd.s32 $0xFFFFFD80  }
0x49: {  	[spmem:s6] =	stream.linear.scatter [tilespmem:s13], [sflag:$0x1], $0x280, $0x38;
	[tilespmem:$0x4400] =	vst v63  }
0x4a: {  	_ =	swait.ge [sflag:s14], $0x280  }
0x4b: {  	[sflag:s14] =	ssyncset.done $0x0  }
0x4c: {  	[sflag:s14] =	ssyncadd.s32 $0xFFFFFD80  }
0x4d: {  	[tilespmem:s4], [sflag:$0x1] =	stream.linear.gather [hbm4b:s7+s4], $0x1400, $0x38;
	[tilespmem:$0x4400] =	vst v63  }
0x4e: {  	_ =	swait.ge [sflag:s14], $0x1400  }
0x4f: {  	[sflag:s14] =	ssyncset.done $0x0  }
0x50: {  	[sflag:s14] =	ssyncadd.s32 $0xFFFFEC00  }
0x51: {  	[tilespmem:s15], [sflag:$0x1] =	stream.linear.gather [hbm4b:s8+s4], $0x1400, $0x38;
	[tilespmem:$0x4400] =	vst v63  }
0x52: {  	_ =	swait.ge [sflag:s14], $0x1400  }
0x53: {  	[sflag:s14] =	ssyncset.done $0x0  }
0x54: {  	[sflag:s14] =	ssyncadd.s32 $0xFFFFEC00  }
0x55: {  	[tilespmem:s16], [sflag:$0x1] =	stream.linear.gather [hbm4b:s9+s4], $0x1400, $0x38;
	[tilespmem:$0x4400] =	vst v63  }
0x56: {  	_ =	swait.ge [sflag:s14], $0x1400  }
0x57: {  	[sflag:s14] =	ssyncset.done $0x0  }
0x58: {  	[sflag:s14] =	ssyncadd.s32 $0xFFFFEC00  }
0x59: {  	s25 =	simm.s32 $0x2800;
	s26 =	simm.s32 $0x1400;
	[bflag:$0x0] =	sbarrier.arrive $0xFFFF  }
0x5a: {  	[spmem:s1] =	stream.indirect.scatter.add.f32 [tilespmem:s25], [sflag:$0x1], $0x1, s26, s17, $0xb8;
	[tilespmem:$0x4400] =	vst v63  }
0x5b: {  	_ =	swait.ge [sflag:s14], $0x80  }
0x5c: {  	[sflag:s14] =	ssyncset.done $0x0  }
0x5d: {  	s31 =	simm.s32 $0x0;
	[sflag:s14] =	ssyncadd.s32 $0xFFFFFF80  }
0x5e: {  	[spmem:s2] =	stream.indirect.scatter.add.f32 [tilespmem:s18], [sflag:$0x1], $0x1, s31, s17, $0xb8;
	[tilespmem:$0x4400] =	vst v63  }
0x5f: {  	_ =	swait.ge [sflag:s14], $0x80  }
0x60: {  	s26 =	simm.s32 $0x400;
	s25 =	simm.s32 $0x80;
	[sflag:s14] =	ssyncset.done $0x0  }
.LBB2_2:
0x61: {  	s28 =	sadd.s32 $0x2800, s25  }
0x62: {  	s29 =	sadd.s32 $0x1400, s25;
	[sflag:s14] =	ssyncadd.s32 $0xFFFFFF80;
	s30 =	smov.u32 s26  }
0x63: {  	[spmem:s1] =	stream.indirect.scatter.add.f32 [tilespmem:s28], [sflag:$0x1], $0x1, s29, s17, $0xb8;
	[tilespmem:$0x4400] =	vst v63  }
0x64: {  	p0 =	sne.s32 s26, $0x4E00;
	s26 =	sadd.s32 $0x200, s26;
	_ =	swait.ge [sflag:s14], $0x80  }
.Ltmp0:
0x65: {  	[sflag:s14] =	ssyncset.done $0x0;
	(pc) =	sbr.rel @p0 .LBB2_2-.Ltmp0, $4  }
0x66: {  	[sflag:s14] =	ssyncadd.s32 $0xFFFFFF80  }
0x67: {  	[spmem:s2] =	stream.indirect.scatter.add.f32 [tilespmem:s18], [sflag:$0x1], $0x1, s25, s17, $0xb8;
	[tilespmem:$0x4400] =	vst v63  }
0x68: {  	_ =	swait.ge [sflag:s14], $0x80  }
0x69: {  	s25 =	sshra.s32 s30, $0x2;
	[sflag:s14] =	ssyncset.done $0x0  }
0x6a: {  	s26 =	sadd.s32 $0x2800, s25;
	s28 =	sadd.s32 $0x1400, s25;
	[sflag:s14] =	ssyncadd.s32 $0xFFFFFF80  }
0x6b: {  	[spmem:s1] =	stream.indirect.scatter.add.f32 [tilespmem:s26], [sflag:$0x1], $0x1, s28, s17, $0xb8;
	[tilespmem:$0x4400] =	vst v63  }
0x6c: {  	_ =	swait.ge [sflag:s14], $0x80  }
0x6d: {  	[sflag:s14] =	ssyncset.done $0x0  }
0x6e: {  	[sflag:s14] =	ssyncadd.s32 $0xFFFFFF80  }
0x6f: {  	[spmem:s2] =	stream.indirect.scatter.add.f32 [tilespmem:s18], [sflag:$0x1], $0x1, s25, s17, $0xb8;
	[tilespmem:$0x4400] =	vst v63  }
0x70: {  	_ =	swait.ge [sflag:s14], $0x80  }
0x71: {  	[sflag:s14] =	ssyncset.done $0x0  }
0x72: {  	[sflag:s14] =	ssyncadd.s32 $0xFFFFFF80  }
0x73: {  	[bflag:$0x0] =	sbarrier.arrive $0xFFFF  }
0x74: {  	[hbm:s10@s21], [sflag:s19] =	dma.strided [spmem:s20@s22], $0x50, s14, $0x10   }
0x75: {  	s24 =	sadd.s32 $0x1, s24;
	_ =	swait.ge [sflag:s14], $0x50  }
0x76: {  	p0 =	sne.s32 s24, s12;
	[sflag:s14] =	ssyncset.done $0x0  }
.Ltmp1:
0x77: {  	[sflag:s14] =	ssyncadd.s32 $0xFFFFFFB0;
	(pc) =	sbr.rel @p0 .LBB2_1-.Ltmp1, $4  }
0x78: {  	[hbm:s11@s21], [sflag:s19] =	dma.strided [spmem:s23@s22], $0x50, s14, $0x10   }
0x79: {  	_ =	swait.ge [sflag:s14], $0x50  }
0x7a: {  	[sflag:s14] =	ssyncset.done $0x0  }
0x7b: {  	[sflag:s14] =	ssyncadd.s32 $0xFFFFFFB0  }
0x7c: {  	_ =	sfence.sel $0x180000  }
0x7d: {  	[bflag:$0x0] =	sbarrier.arrive $0xFFFF  }
0x7e: {  	p0 =	sne.s32 s3, $0x0;
	_ =	strace $0x90000047  }
0x7f: {  	s0 =	sadd.s32 @!p0 $0x100000, s0;
	[bflag:$0x2] =	sbarrier.arrive $0xFFFF  }
0x80: {  	[sflag:s0] =	ssyncadd.tile.s32 @!p0 $0x1;
	_ =	shalt  }
.Lfunc_end2:
_tile_overlayer_lowered:
.L_overlay_start_2:
0x81: {  	(tag) =	ssettag $0x2  }
0x82: {  	s0 =	rddreg [dreg:$0x0];
	s2 =	stileid.u32  }
0x83: {  	s1 =	rddreg [dreg:$0x1];
	p0 =	sne.s32 s2, $0x0  }
0x84: {  	s3 =	rddreg [dreg:$0x2];
	[bflag:$0x3] =	sbarrier.arrive $0xFFFF;
	s2 =	simm.s32 @!p0 $0x1C01  }
0x85: {  	[timem:s3], [sflag:s2] =	dma.local @!p0 [hbm:s0], s1  }
0x86: {  	s0 =	simm.s32 @!p0 $0x1  }
0x87: {  	_ =	swait.ge @!p0 [sflag:s0], s1  }
0x88: {  	s1 =	ssub.s32 @!p0 $0x0, s1;
	[sflag:s0] =	ssyncset.done @!p0 $0x0  }
0x89: {  	[sflag:s0] =	ssyncadd.s32 @!p0 s1  }
0x8a: {  	[bflag:$0x3] =	sbarrier.arrive $0xFFFF  }
0x8b: {  	_ =	shalt  }

</sc_bundles>
